<compile_context>
chip_gen: v7x
topology: tpu7x:2x2x1
jax: 0.10.2.dev20260603
libtpu: 0.0.44.dev20260713+nightly
codegen_flags: <defaults>
</compile_context>

<pallas_src>
import functools

import jax
import jax.numpy as jnp
from jax import lax
from jax.experimental import pallas as pl
from jax.experimental.pallas import tpu as pltpu
from jax.experimental.pallas import tpu_sc as plsc

NUM_USERS = 1000000
EMBED = 128
FEAT_ITEM = 256
B = 16384

NC = 2
NS = 16
NW = NC * NS
B_PER_W = B // NW
CHUNK = 128
N_CHUNKS = B_PER_W // CHUNK

_sc_mesh = plsc.VectorSubcoreMesh(core_axis_name="c", subcore_axis_name="s")


@functools.partial(
    pl.kernel,
    out_type=jax.ShapeDtypeStruct((B, EMBED), jnp.float32),
    mesh=_sc_mesh,
    scratch_types=[
        pltpu.VMEM((N_CHUNKS, CHUNK), jnp.int32),
        pltpu.VMEM((B_PER_W, EMBED), jnp.float32),
    ]
    + [pltpu.SemaphoreType.DMA] * N_CHUNKS
    + [pltpu.SemaphoreType.DMA],
)
def _sc_gather(table_hbm, idx_hbm, out_hbm, idx_v, rows_v, s0, s1, s2, s3,
               wsem):
    gsems = (s0, s1, s2, s3)
    wid = lax.axis_index("s") * NC + lax.axis_index("c")
    base = wid * B_PER_W
    pltpu.sync_copy(idx_hbm.at[wid], idx_v)
    def _gather(j):
        return pltpu.async_copy(
            table_hbm.at[idx_v.at[j]],
            rows_v.at[pl.ds(j * CHUNK, CHUNK)],
            gsems[j],
        )

    def _write(j):
        return pltpu.async_copy(
            rows_v.at[pl.ds(j * CHUNK, CHUNK)],
            out_hbm.at[pl.ds(base + j * CHUNK, CHUNK)],
            wsem,
        )

    wave1 = [_gather(j) for j in range(2)]
    for c in wave1:
        c.wait()
    wave2 = [_gather(j) for j in range(2, N_CHUNKS)]
    writes = [_write(j) for j in range(2)]
    for c in wave2:
        c.wait()
    writes += [_write(j) for j in range(2, N_CHUNKS)]
    for c in writes:
        c.wait()


_MM_SUB = 512
_MM_PAR = 8
_MM_STEP = _MM_SUB * _MM_PAR


def _mm_body(*refs):
    xs, w_ref, o_ref = refs[:_MM_PAR], refs[_MM_PAR], refs[_MM_PAR + 1]
    for s, xr in enumerate(xs):
        o_ref[pl.ds(s * _MM_SUB, _MM_SUB), :] = jnp.dot(
            xr[...], w_ref[...], preferred_element_type=jnp.float32)


def _item_proj(input_item, proj_item):
    grid = (B // _MM_STEP,)
    in_specs = [
        pl.BlockSpec((_MM_SUB, FEAT_ITEM),
                     lambda i, s=s: (_MM_PAR * i + s, 0))
        for s in range(_MM_PAR)
    ] + [pl.BlockSpec((FEAT_ITEM, EMBED), lambda i: (0, 0))]
    return pl.pallas_call(
        _mm_body,
        grid=grid,
        in_specs=in_specs,
        out_specs=pl.BlockSpec((_MM_STEP, EMBED), lambda i: (i, 0)),
        out_shape=jax.ShapeDtypeStruct((B, EMBED), jnp.float32),
    )(*([input_item] * _MM_PAR), proj_item)


def kernel(input_item, input_nodes_user, user_table, proj_item):
    idx3 = input_nodes_user.reshape(NW, N_CHUNKS, CHUNK)
    emb_user = _sc_gather(user_table, idx3)
    emb_item = _item_proj(input_item, proj_item)
    return (emb_user, emb_item)

# --- scband reference (transcript-rebuilt; emitter-appended) ---
"""Pipeline reference for scband-dist-graph-embed-1760936591780 (READ-ONLY COPY).

The authoritative reference and input builder live on the scoring server;
editing this copy changes nothing except your own understanding.
"""

import jax, jax.numpy as jnp
import numpy as np

NUM_USERS = 1000000
EMBED = 128
FEAT_ITEM = 256
B = 16384


def setup_inputs(seed: int = 0) -> dict:
    key = jax.random.key(seed)
    k1, k2, k3, k4 = jax.random.split(key, 4)
    # dgl DistEmbedding init_emb: uniform(-1, 1)
    user_table = jax.random.uniform(k1, (NUM_USERS, EMBED), minval=-1.0, maxval=1.0, dtype=jnp.float32)
    # input_projs['item']: xavier_uniform with gain=calculate_gain('relu')=sqrt(2)
    gain = np.sqrt(2.0)
    limit = gain * np.sqrt(6.0 / (FEAT_ITEM + EMBED))
    proj_item = jax.random.uniform(k2, (FEAT_ITEM, EMBED), minval=-limit, maxval=limit, dtype=jnp.float32)
    input_item = jax.random.normal(k3, (B, FEAT_ITEM), dtype=jnp.float32)
    input_nodes_user = jax.random.randint(k4, (B,), 0, NUM_USERS, dtype=jnp.int32)
    return {
        "input_item": input_item,
        "input_nodes_user": input_nodes_user,
        "user_table": user_table,
        "proj_item": proj_item,
    }


def reference(input_item, input_nodes_user, user_table, proj_item):
    # ntype 'item' has features -> dense projection: input[ntype] @ input_projs[ntype]
    emb_item = input_item @ proj_item
    # ntype 'user' is featureless -> sparse embedding lookup: sparse_embeds[ntype](input_nodes[ntype])
    emb_user = jnp.take(user_table, input_nodes_user, axis=0)
    # activation=None, dropout=0.0 (identity in eval). Return dict values as a tuple.
    return (emb_user, emb_item)

if __name__ == "__main__":
    import jax
    _d = setup_inputs()
    print(jax.jit(kernel)(*tuple(_d.values())))

</pallas_src>

<mosaic_0001>
#map = affine_map<(d0, d1) -> (0, 0)>
#map1 = affine_map<(d0, d1) -> (0, 0, 0)>
module attributes {stable_mosaic.version = 14 : i64} {
  func.func @_sc_gather(%arg0: i32, %arg1: i32, %arg2: memref<1000000x128xf32, #tpu.memory_space<hbm>>, %arg3: memref<32x4x128xi32, #tpu.memory_space<hbm>>, %arg4: memref<16384x128xf32, #tpu.memory_space<hbm>>, %arg5: memref<4x128xi32, #tpu.memory_space<vmem>>, %arg6: memref<512x128xf32, #tpu.memory_space<vmem>>, %arg7: memref<!tpu.dma_semaphore, #tpu.memory_space<semaphore_mem>>, %arg8: memref<!tpu.dma_semaphore, #tpu.memory_space<semaphore_mem>>, %arg9: memref<!tpu.dma_semaphore, #tpu.memory_space<semaphore_mem>>, %arg10: memref<!tpu.dma_semaphore, #tpu.memory_space<semaphore_mem>>, %arg11: memref<!tpu.dma_semaphore, #tpu.memory_space<semaphore_mem>>) attributes {dimension_semantics = [#tpu.dimension_semantics<core_parallel>, #tpu.dimension_semantics<subcore_parallel>], iteration_bounds = array<i64: 2, 16>, scalar_prefetch = 0 : i64, scratch_operands = 7 : i64, tpu.core_type = #tpu.core_type<sc_vector_subcore>, window_params = [{transform_indices = #map}, {transform_indices = #map1}, {transform_indices = #map}]} {
    %mul3A = arith.constant 2 : i32
    %mul3A_0 = arith.muli %arg1, %mul3A : i32
    %add3A = arith.addi %mul3A_0, %arg0 : i32
    %mul3A_1 = arith.constant 512 : i32
    %mul3A_2 = arith.muli %add3A, %mul3A_1 : i32
    "tpu.region"() ({
      %run_scoped3A = tpu.sem_alloc : memref<!tpu.dma_semaphore, #tpu.memory_space<semaphore_mem>>
      %dma_start3A_169 = arith.constant 0 : i32
      %dma_start3A_170 = arith.constant 0 : i32
      %dma_start3A_171 = tpu.memref_slice %arg3[%add3A, %dma_start3A_169, %dma_start3A_170] : memref<32x4x128xi32, #tpu.memory_space<hbm>> -> memref<1x4x128xi32, #tpu.memory_space<hbm>>
      %dma_start3A_172 = tpu.memref_squeeze %dma_start3A_171 : memref<1x4x128xi32, #tpu.memory_space<hbm>> -> memref<4x128xi32, #tpu.memory_space<hbm>>
      %dma_start3A_173 = arith.constant 0 : i32
      %dma_start3A_174 = arith.constant 0 : i32
      %dma_start3A_175 = tpu.memref_slice %arg3[%add3A, %dma_start3A_173, %dma_start3A_174] : memref<32x4x128xi32, #tpu.memory_space<hbm>> -> memref<1x4x128xi32, #tpu.memory_space<hbm>>
      %dma_start3A_176 = tpu.memref_squeeze %dma_start3A_175 : memref<1x4x128xi32, #tpu.memory_space<hbm>> -> memref<4x128xi32, #tpu.memory_space<hbm>>
      tpu.enqueue_dma source(%dma_start3A_176 : memref<4x128xi32, #tpu.memory_space<hbm>>) target(%arg5 : memref<4x128xi32, #tpu.memory_space<vmem>>) target_semaphore(%run_scoped3A : memref<!tpu.dma_semaphore, #tpu.memory_space<semaphore_mem>>)
      %dma_wait3A_177 = arith.constant 0 : i32
      %dma_wait3A_178 = arith.constant 0 : i32
      %dma_wait3A_179 = tpu.memref_slice %arg3[%add3A, %dma_wait3A_177, %dma_wait3A_178] : memref<32x4x128xi32, #tpu.memory_space<hbm>> -> memref<1x4x128xi32, #tpu.memory_space<hbm>>
      %dma_wait3A_180 = tpu.memref_squeeze %dma_wait3A_179 : memref<1x4x128xi32, #tpu.memory_space<hbm>> -> memref<4x128xi32, #tpu.memory_space<hbm>>
      %dma_wait3A_181 = arith.constant 0 : i32
      %dma_wait3A_182 = arith.constant 0 : i32
      %dma_wait3A_183 = tpu.memref_slice %arg3[%add3A, %dma_wait3A_181, %dma_wait3A_182] : memref<32x4x128xi32, #tpu.memory_space<hbm>> -> memref<1x4x128xi32, #tpu.memory_space<hbm>>
      %dma_wait3A_184 = tpu.memref_squeeze %dma_wait3A_183 : memref<1x4x128xi32, #tpu.memory_space<hbm>> -> memref<4x128xi32, #tpu.memory_space<hbm>>
      tpu.wait_dma2 semaphore(%run_scoped3A : memref<!tpu.dma_semaphore, #tpu.memory_space<semaphore_mem>>) src(%dma_wait3A_184 : memref<4x128xi32, #tpu.memory_space<hbm>>) dst(%arg5 : memref<4x128xi32, #tpu.memory_space<vmem>>)
      tpu.yield
    }) : () -> ()
    %dma_start3A = arith.constant 0 : i32
    %dma_start3A_3 = arith.constant 0 : i32
    %dma_start3A_4 = arith.constant 0 : i32
    %dma_start3A_5 = tpu.memref_slice %arg6[%dma_start3A_3, %dma_start3A_4] : memref<512x128xf32, #tpu.memory_space<vmem>> -> memref<128x128xf32, #tpu.memory_space<vmem>>
    %dma_start3A_6 = arith.constant 0 : i32
    %dma_start3A_7 = tpu.memref_slice %arg5[%dma_start3A, %dma_start3A_6] : memref<4x128xi32, #tpu.memory_space<vmem>> -> memref<1x128xi32, #tpu.memory_space<vmem>>
    %dma_start3A_8 = tpu.memref_squeeze %dma_start3A_7 : memref<1x128xi32, #tpu.memory_space<vmem>> -> memref<128xi32, #tpu.memory_space<vmem>>
    %dma_start3A_9 = arith.constant 0 : i32
    %dma_start3A_10 = arith.constant 0 : i32
    %dma_start3A_11 = tpu.memref_slice %arg2[%dma_start3A_9, %dma_start3A_10] : memref<1000000x128xf32, #tpu.memory_space<hbm>> -> memref<1000000x128xf32, #tpu.memory_space<hbm>>
    tpu.enqueue_indirect_dma source(%dma_start3A_11 : memref<1000000x128xf32, #tpu.memory_space<hbm>>) target(%dma_start3A_5 : memref<128x128xf32, #tpu.memory_space<vmem>>) offsets(%dma_start3A_8 : memref<128xi32, #tpu.memory_space<vmem>>) semaphore(%arg7 : memref<!tpu.dma_semaphore, #tpu.memory_space<semaphore_mem>>)
    %dma_start3A_12 = arith.constant 1 : i32
    %dma_start3A_13 = arith.constant 128 : i32
    %dma_start3A_14 = arith.constant 0 : i32
    %dma_start3A_15 = tpu.memref_slice %arg6[%dma_start3A_13, %dma_start3A_14] : memref<512x128xf32, #tpu.memory_space<vmem>> -> memref<128x128xf32, #tpu.memory_space<vmem>>
    %dma_start3A_16 = arith.constant 0 : i32
    %dma_start3A_17 = tpu.memref_slice %arg5[%dma_start3A_12, %dma_start3A_16] : memref<4x128xi32, #tpu.memory_space<vmem>> -> memref<1x128xi32, #tpu.memory_space<vmem>>
    %dma_start3A_18 = tpu.memref_squeeze %dma_start3A_17 : memref<1x128xi32, #tpu.memory_space<vmem>> -> memref<128xi32, #tpu.memory_space<vmem>>
    %dma_start3A_19 = arith.constant 0 : i32
    %dma_start3A_20 = arith.constant 0 : i32
    %dma_start3A_21 = tpu.memref_slice %arg2[%dma_start3A_19, %dma_start3A_20] : memref<1000000x128xf32, #tpu.memory_space<hbm>> -> memref<1000000x128xf32, #tpu.memory_space<hbm>>
    tpu.enqueue_indirect_dma source(%dma_start3A_21 : memref<1000000x128xf32, #tpu.memory_space<hbm>>) target(%dma_start3A_15 : memref<128x128xf32, #tpu.memory_space<vmem>>) offsets(%dma_start3A_18 : memref<128xi32, #tpu.memory_space<vmem>>) semaphore(%arg8 : memref<!tpu.dma_semaphore, #tpu.memory_space<semaphore_mem>>)
    %dma_wait3A = arith.constant 0 : i32
    %dma_wait3A_22 = arith.constant 0 : i32
    %dma_wait3A_23 = arith.constant 0 : i32
    %dma_wait3A_24 = tpu.memref_slice %arg6[%dma_wait3A_22, %dma_wait3A_23] : memref<512x128xf32, #tpu.memory_space<vmem>> -> memref<128x128xf32, #tpu.memory_space<vmem>>
    %dma_wait3A_25 = arith.constant 0 : i32
    %dma_wait3A_26 = tpu.memref_slice %arg5[%dma_wait3A, %dma_wait3A_25] : memref<4x128xi32, #tpu.memory_space<vmem>> -> memref<1x128xi32, #tpu.memory_space<vmem>>
    %dma_wait3A_27 = tpu.memref_squeeze %dma_wait3A_26 : memref<1x128xi32, #tpu.memory_space<vmem>> -> memref<128xi32, #tpu.memory_space<vmem>>
    %dma_wait3A_28 = arith.constant 0 : i32
    %dma_wait3A_29 = arith.constant 0 : i32
    %dma_wait3A_30 = tpu.memref_slice %arg2[%dma_wait3A_28, %dma_wait3A_29] : memref<1000000x128xf32, #tpu.memory_space<hbm>> -> memref<1000000x128xf32, #tpu.memory_space<hbm>>
    tpu.wait_indirect_dma semaphore(%arg7 : memref<!tpu.dma_semaphore, #tpu.memory_space<semaphore_mem>>) src(%dma_wait3A_30 : memref<1000000x128xf32, #tpu.memory_space<hbm>>) dst(%dma_wait3A_24 : memref<128x128xf32, #tpu.memory_space<vmem>>)
    %dma_wait3A_31 = arith.constant 1 : i32
    %dma_wait3A_32 = arith.constant 128 : i32
    %dma_wait3A_33 = arith.constant 0 : i32
    %dma_wait3A_34 = tpu.memref_slice %arg6[%dma_wait3A_32, %dma_wait3A_33] : memref<512x128xf32, #tpu.memory_space<vmem>> -> memref<128x128xf32, #tpu.memory_space<vmem>>
    %dma_wait3A_35 = arith.constant 0 : i32
    %dma_wait3A_36 = tpu.memref_slice %arg5[%dma_wait3A_31, %dma_wait3A_35] : memref<4x128xi32, #tpu.memory_space<vmem>> -> memref<1x128xi32, #tpu.memory_space<vmem>>
    %dma_wait3A_37 = tpu.memref_squeeze %dma_wait3A_36 : memref<1x128xi32, #tpu.memory_space<vmem>> -> memref<128xi32, #tpu.memory_space<vmem>>
    %dma_wait3A_38 = arith.constant 0 : i32
    %dma_wait3A_39 = arith.constant 0 : i32
    %dma_wait3A_40 = tpu.memref_slice %arg2[%dma_wait3A_38, %dma_wait3A_39] : memref<1000000x128xf32, #tpu.memory_space<hbm>> -> memref<1000000x128xf32, #tpu.memory_space<hbm>>
    tpu.wait_indirect_dma semaphore(%arg8 : memref<!tpu.dma_semaphore, #tpu.memory_space<semaphore_mem>>) src(%dma_wait3A_40 : memref<1000000x128xf32, #tpu.memory_space<hbm>>) dst(%dma_wait3A_34 : memref<128x128xf32, #tpu.memory_space<vmem>>)
    %dma_start3A_41 = arith.constant 2 : i32
    %dma_start3A_42 = arith.constant 256 : i32
    %dma_start3A_43 = arith.constant 0 : i32
    %dma_start3A_44 = tpu.memref_slice %arg6[%dma_start3A_42, %dma_start3A_43] : memref<512x128xf32, #tpu.memory_space<vmem>> -> memref<128x128xf32, #tpu.memory_space<vmem>>
    %dma_start3A_45 = arith.constant 0 : i32
    %dma_start3A_46 = tpu.memref_slice %arg5[%dma_start3A_41, %dma_start3A_45] : memref<4x128xi32, #tpu.memory_space<vmem>> -> memref<1x128xi32, #tpu.memory_space<vmem>>
    %dma_start3A_47 = tpu.memref_squeeze %dma_start3A_46 : memref<1x128xi32, #tpu.memory_space<vmem>> -> memref<128xi32, #tpu.memory_space<vmem>>
    %dma_start3A_48 = arith.constant 0 : i32
    %dma_start3A_49 = arith.constant 0 : i32
    %dma_start3A_50 = tpu.memref_slice %arg2[%dma_start3A_48, %dma_start3A_49] : memref<1000000x128xf32, #tpu.memory_space<hbm>> -> memref<1000000x128xf32, #tpu.memory_space<hbm>>
    tpu.enqueue_indirect_dma source(%dma_start3A_50 : memref<1000000x128xf32, #tpu.memory_space<hbm>>) target(%dma_start3A_44 : memref<128x128xf32, #tpu.memory_space<vmem>>) offsets(%dma_start3A_47 : memref<128xi32, #tpu.memory_space<vmem>>) semaphore(%arg9 : memref<!tpu.dma_semaphore, #tpu.memory_space<semaphore_mem>>)
    %dma_start3A_51 = arith.constant 3 : i32
    %dma_start3A_52 = arith.constant 384 : i32
    %dma_start3A_53 = arith.constant 0 : i32
    %dma_start3A_54 = tpu.memref_slice %arg6[%dma_start3A_52, %dma_start3A_53] : memref<512x128xf32, #tpu.memory_space<vmem>> -> memref<128x128xf32, #tpu.memory_space<vmem>>
    %dma_start3A_55 = arith.constant 0 : i32
    %dma_start3A_56 = tpu.memref_slice %arg5[%dma_start3A_51, %dma_start3A_55] : memref<4x128xi32, #tpu.memory_space<vmem>> -> memref<1x128xi32, #tpu.memory_space<vmem>>
    %dma_start3A_57 = tpu.memref_squeeze %dma_start3A_56 : memref<1x128xi32, #tpu.memory_space<vmem>> -> memref<128xi32, #tpu.memory_space<vmem>>
    %dma_start3A_58 = arith.constant 0 : i32
    %dma_start3A_59 = arith.constant 0 : i32
    %dma_start3A_60 = tpu.memref_slice %arg2[%dma_start3A_58, %dma_start3A_59] : memref<1000000x128xf32, #tpu.memory_space<hbm>> -> memref<1000000x128xf32, #tpu.memory_space<hbm>>
    tpu.enqueue_indirect_dma source(%dma_start3A_60 : memref<1000000x128xf32, #tpu.memory_space<hbm>>) target(%dma_start3A_54 : memref<128x128xf32, #tpu.memory_space<vmem>>) offsets(%dma_start3A_57 : memref<128xi32, #tpu.memory_space<vmem>>) semaphore(%arg10 : memref<!tpu.dma_semaphore, #tpu.memory_space<semaphore_mem>>)
    %add3A_61 = arith.constant 0 : i32
    %add3A_62 = arith.addi %mul3A_2, %add3A_61 : i32
    %dma_start3A_63 = arith.constant 0 : i32
    %dma_start3A_64 = arith.constant 0 : i32
    %dma_start3A_65 = tpu.memref_slice %arg6[%dma_start3A_63, %dma_start3A_64] : memref<512x128xf32, #tpu.memory_space<vmem>> -> memref<128x128xf32, #tpu.memory_space<vmem>>
    %dma_start3A_66 = arith.constant 0 : i32
    %dma_start3A_67 = tpu.memref_slice %arg4[%add3A_62, %dma_start3A_66] : memref<16384x128xf32, #tpu.memory_space<hbm>> -> memref<128x128xf32, #tpu.memory_space<hbm>>
    %dma_start3A_68 = arith.constant 0 : i32
    %dma_start3A_69 = tpu.memref_slice %arg4[%add3A_62, %dma_start3A_68] : memref<16384x128xf32, #tpu.memory_space<hbm>> -> memref<128x128xf32, #tpu.memory_space<hbm>>
    %dma_start3A_70 = arith.constant 0 : i32
    %dma_start3A_71 = arith.constant 0 : i32
    %dma_start3A_72 = tpu.memref_slice %arg6[%dma_start3A_70, %dma_start3A_71] : memref<512x128xf32, #tpu.memory_space<vmem>> -> memref<128x128xf32, #tpu.memory_space<vmem>>
    tpu.enqueue_dma source(%dma_start3A_72 : memref<128x128xf32, #tpu.memory_space<vmem>>) target(%dma_start3A_69 : memref<128x128xf32, #tpu.memory_space<hbm>>) target_semaphore(%arg11 : memref<!tpu.dma_semaphore, #tpu.memory_space<semaphore_mem>>)
    %add3A_73 = arith.constant 128 : i32
    %add3A_74 = arith.addi %mul3A_2, %add3A_73 : i32
    %dma_start3A_75 = arith.constant 128 : i32
    %dma_start3A_76 = arith.constant 0 : i32
    %dma_start3A_77 = tpu.memref_slice %arg6[%dma_start3A_75, %dma_start3A_76] : memref<512x128xf32, #tpu.memory_space<vmem>> -> memref<128x128xf32, #tpu.memory_space<vmem>>
    %dma_start3A_78 = arith.constant 0 : i32
    %dma_start3A_79 = tpu.memref_slice %arg4[%add3A_74, %dma_start3A_78] : memref<16384x128xf32, #tpu.memory_space<hbm>> -> memref<128x128xf32, #tpu.memory_space<hbm>>
    %dma_start3A_80 = arith.constant 0 : i32
    %dma_start3A_81 = tpu.memref_slice %arg4[%add3A_74, %dma_start3A_80] : memref<16384x128xf32, #tpu.memory_space<hbm>> -> memref<128x128xf32, #tpu.memory_space<hbm>>
    %dma_start3A_82 = arith.constant 128 : i32
    %dma_start3A_83 = arith.constant 0 : i32
    %dma_start3A_84 = tpu.memref_slice %arg6[%dma_start3A_82, %dma_start3A_83] : memref<512x128xf32, #tpu.memory_space<vmem>> -> memref<128x128xf32, #tpu.memory_space<vmem>>
    tpu.enqueue_dma source(%dma_start3A_84 : memref<128x128xf32, #tpu.memory_space<vmem>>) target(%dma_start3A_81 : memref<128x128xf32, #tpu.memory_space<hbm>>) target_semaphore(%arg11 : memref<!tpu.dma_semaphore, #tpu.memory_space<semaphore_mem>>)
    %dma_wait3A_85 = arith.constant 2 : i32
    %dma_wait3A_86 = arith.constant 256 : i32
    %dma_wait3A_87 = arith.constant 0 : i32
    %dma_wait3A_88 = tpu.memref_slice %arg6[%dma_wait3A_86, %dma_wait3A_87] : memref<512x128xf32, #tpu.memory_space<vmem>> -> memref<128x128xf32, #tpu.memory_space<vmem>>
    %dma_wait3A_89 = arith.constant 0 : i32
    %dma_wait3A_90 = tpu.memref_slice %arg5[%dma_wait3A_85, %dma_wait3A_89] : memref<4x128xi32, #tpu.memory_space<vmem>> -> memref<1x128xi32, #tpu.memory_space<vmem>>
    %dma_wait3A_91 = tpu.memref_squeeze %dma_wait3A_90 : memref<1x128xi32, #tpu.memory_space<vmem>> -> memref<128xi32, #tpu.memory_space<vmem>>
    %dma_wait3A_92 = arith.constant 0 : i32
    %dma_wait3A_93 = arith.constant 0 : i32
    %dma_wait3A_94 = tpu.memref_slice %arg2[%dma_wait3A_92, %dma_wait3A_93] : memref<1000000x128xf32, #tpu.memory_space<hbm>> -> memref<1000000x128xf32, #tpu.memory_space<hbm>>
    tpu.wait_indirect_dma semaphore(%arg9 : memref<!tpu.dma_semaphore, #tpu.memory_space<semaphore_mem>>) src(%dma_wait3A_94 : memref<1000000x128xf32, #tpu.memory_space<hbm>>) dst(%dma_wait3A_88 : memref<128x128xf32, #tpu.memory_space<vmem>>)
    %dma_wait3A_95 = arith.constant 3 : i32
    %dma_wait3A_96 = arith.constant 384 : i32
    %dma_wait3A_97 = arith.constant 0 : i32
    %dma_wait3A_98 = tpu.memref_slice %arg6[%dma_wait3A_96, %dma_wait3A_97] : memref<512x128xf32, #tpu.memory_space<vmem>> -> memref<128x128xf32, #tpu.memory_space<vmem>>
    %dma_wait3A_99 = arith.constant 0 : i32
    %dma_wait3A_100 = tpu.memref_slice %arg5[%dma_wait3A_95, %dma_wait3A_99] : memref<4x128xi32, #tpu.memory_space<vmem>> -> memref<1x128xi32, #tpu.memory_space<vmem>>
    %dma_wait3A_101 = tpu.memref_squeeze %dma_wait3A_100 : memref<1x128xi32, #tpu.memory_space<vmem>> -> memref<128xi32, #tpu.memory_space<vmem>>
    %dma_wait3A_102 = arith.constant 0 : i32
    %dma_wait3A_103 = arith.constant 0 : i32
    %dma_wait3A_104 = tpu.memref_slice %arg2[%dma_wait3A_102, %dma_wait3A_103] : memref<1000000x128xf32, #tpu.memory_space<hbm>> -> memref<1000000x128xf32, #tpu.memory_space<hbm>>
    tpu.wait_indirect_dma semaphore(%arg10 : memref<!tpu.dma_semaphore, #tpu.memory_space<semaphore_mem>>) src(%dma_wait3A_104 : memref<1000000x128xf32, #tpu.memory_space<hbm>>) dst(%dma_wait3A_98 : memref<128x128xf32, #tpu.memory_space<vmem>>)
    %add3A_105 = arith.constant 256 : i32
    %add3A_106 = arith.addi %mul3A_2, %add3A_105 : i32
    %dma_start3A_107 = arith.constant 256 : i32
    %dma_start3A_108 = arith.constant 0 : i32
    %dma_start3A_109 = tpu.memref_slice %arg6[%dma_start3A_107, %dma_start3A_108] : memref<512x128xf32, #tpu.memory_space<vmem>> -> memref<128x128xf32, #tpu.memory_space<vmem>>
    %dma_start3A_110 = arith.constant 0 : i32
    %dma_start3A_111 = tpu.memref_slice %arg4[%add3A_106, %dma_start3A_110] : memref<16384x128xf32, #tpu.memory_space<hbm>> -> memref<128x128xf32, #tpu.memory_space<hbm>>
    %dma_start3A_112 = arith.constant 0 : i32
    %dma_start3A_113 = tpu.memref_slice %arg4[%add3A_106, %dma_start3A_112] : memref<16384x128xf32, #tpu.memory_space<hbm>> -> memref<128x128xf32, #tpu.memory_space<hbm>>
    %dma_start3A_114 = arith.constant 256 : i32
    %dma_start3A_115 = arith.constant 0 : i32
    %dma_start3A_116 = tpu.memref_slice %arg6[%dma_start3A_114, %dma_start3A_115] : memref<512x128xf32, #tpu.memory_space<vmem>> -> memref<128x128xf32, #tpu.memory_space<vmem>>
    tpu.enqueue_dma source(%dma_start3A_116 : memref<128x128xf32, #tpu.memory_space<vmem>>) target(%dma_start3A_113 : memref<128x128xf32, #tpu.memory_space<hbm>>) target_semaphore(%arg11 : memref<!tpu.dma_semaphore, #tpu.memory_space<semaphore_mem>>)
    %add3A_117 = arith.constant 384 : i32
    %add3A_118 = arith.addi %mul3A_2, %add3A_117 : i32
    %dma_start3A_119 = arith.constant 384 : i32
    %dma_start3A_120 = arith.constant 0 : i32
    %dma_start3A_121 = tpu.memref_slice %arg6[%dma_start3A_119, %dma_start3A_120] : memref<512x128xf32, #tpu.memory_space<vmem>> -> memref<128x128xf32, #tpu.memory_space<vmem>>
    %dma_start3A_122 = arith.constant 0 : i32
    %dma_start3A_123 = tpu.memref_slice %arg4[%add3A_118, %dma_start3A_122] : memref<16384x128xf32, #tpu.memory_space<hbm>> -> memref<128x128xf32, #tpu.memory_space<hbm>>
    %dma_start3A_124 = arith.constant 0 : i32
    %dma_start3A_125 = tpu.memref_slice %arg4[%add3A_118, %dma_start3A_124] : memref<16384x128xf32, #tpu.memory_space<hbm>> -> memref<128x128xf32, #tpu.memory_space<hbm>>
    %dma_start3A_126 = arith.constant 384 : i32
    %dma_start3A_127 = arith.constant 0 : i32
    %dma_start3A_128 = tpu.memref_slice %arg6[%dma_start3A_126, %dma_start3A_127] : memref<512x128xf32, #tpu.memory_space<vmem>> -> memref<128x128xf32, #tpu.memory_space<vmem>>
    tpu.enqueue_dma source(%dma_start3A_128 : memref<128x128xf32, #tpu.memory_space<vmem>>) target(%dma_start3A_125 : memref<128x128xf32, #tpu.memory_space<hbm>>) target_semaphore(%arg11 : memref<!tpu.dma_semaphore, #tpu.memory_space<semaphore_mem>>)
    %dma_wait3A_129 = arith.constant 0 : i32
    %dma_wait3A_130 = arith.constant 0 : i32
    %dma_wait3A_131 = tpu.memref_slice %arg6[%dma_wait3A_129, %dma_wait3A_130] : memref<512x128xf32, #tpu.memory_space<vmem>> -> memref<128x128xf32, #tpu.memory_space<vmem>>
    %dma_wait3A_132 = arith.constant 0 : i32
    %dma_wait3A_133 = tpu.memref_slice %arg4[%add3A_62, %dma_wait3A_132] : memref<16384x128xf32, #tpu.memory_space<hbm>> -> memref<128x128xf32, #tpu.memory_space<hbm>>
    %dma_wait3A_134 = arith.constant 0 : i32
    %dma_wait3A_135 = tpu.memref_slice %arg4[%add3A_62, %dma_wait3A_134] : memref<16384x128xf32, #tpu.memory_space<hbm>> -> memref<128x128xf32, #tpu.memory_space<hbm>>
    %dma_wait3A_136 = arith.constant 0 : i32
    %dma_wait3A_137 = arith.constant 0 : i32
    %dma_wait3A_138 = tpu.memref_slice %arg6[%dma_wait3A_136, %dma_wait3A_137] : memref<512x128xf32, #tpu.memory_space<vmem>> -> memref<128x128xf32, #tpu.memory_space<vmem>>
    tpu.wait_dma2 semaphore(%arg11 : memref<!tpu.dma_semaphore, #tpu.memory_space<semaphore_mem>>) src(%dma_wait3A_138 : memref<128x128xf32, #tpu.memory_space<vmem>>) dst(%dma_wait3A_135 : memref<128x128xf32, #tpu.memory_space<hbm>>)
    %dma_wait3A_139 = arith.constant 128 : i32
    %dma_wait3A_140 = arith.constant 0 : i32
    %dma_wait3A_141 = tpu.memref_slice %arg6[%dma_wait3A_139, %dma_wait3A_140] : memref<512x128xf32, #tpu.memory_space<vmem>> -> memref<128x128xf32, #tpu.memory_space<vmem>>
    %dma_wait3A_142 = arith.constant 0 : i32
    %dma_wait3A_143 = tpu.memref_slice %arg4[%add3A_74, %dma_wait3A_142] : memref<16384x128xf32, #tpu.memory_space<hbm>> -> memref<128x128xf32, #tpu.memory_space<hbm>>
    %dma_wait3A_144 = arith.constant 0 : i32
    %dma_wait3A_145 = tpu.memref_slice %arg4[%add3A_74, %dma_wait3A_144] : memref<16384x128xf32, #tpu.memory_space<hbm>> -> memref<128x128xf32, #tpu.memory_space<hbm>>
    %dma_wait3A_146 = arith.constant 128 : i32
    %dma_wait3A_147 = arith.constant 0 : i32
    %dma_wait3A_148 = tpu.memref_slice %arg6[%dma_wait3A_146, %dma_wait3A_147] : memref<512x128xf32, #tpu.memory_space<vmem>> -> memref<128x128xf32, #tpu.memory_space<vmem>>
    tpu.wait_dma2 semaphore(%arg11 : memref<!tpu.dma_semaphore, #tpu.memory_space<semaphore_mem>>) src(%dma_wait3A_148 : memref<128x128xf32, #tpu.memory_space<vmem>>) dst(%dma_wait3A_145 : memref<128x128xf32, #tpu.memory_space<hbm>>)
    %dma_wait3A_149 = arith.constant 256 : i32
    %dma_wait3A_150 = arith.constant 0 : i32
    %dma_wait3A_151 = tpu.memref_slice %arg6[%dma_wait3A_149, %dma_wait3A_150] : memref<512x128xf32, #tpu.memory_space<vmem>> -> memref<128x128xf32, #tpu.memory_space<vmem>>
    %dma_wait3A_152 = arith.constant 0 : i32
    %dma_wait3A_153 = tpu.memref_slice %arg4[%add3A_106, %dma_wait3A_152] : memref<16384x128xf32, #tpu.memory_space<hbm>> -> memref<128x128xf32, #tpu.memory_space<hbm>>
    %dma_wait3A_154 = arith.constant 0 : i32
    %dma_wait3A_155 = tpu.memref_slice %arg4[%add3A_106, %dma_wait3A_154] : memref<16384x128xf32, #tpu.memory_space<hbm>> -> memref<128x128xf32, #tpu.memory_space<hbm>>
    %dma_wait3A_156 = arith.constant 256 : i32
    %dma_wait3A_157 = arith.constant 0 : i32
    %dma_wait3A_158 = tpu.memref_slice %arg6[%dma_wait3A_156, %dma_wait3A_157] : memref<512x128xf32, #tpu.memory_space<vmem>> -> memref<128x128xf32, #tpu.memory_space<vmem>>
    tpu.wait_dma2 semaphore(%arg11 : memref<!tpu.dma_semaphore, #tpu.memory_space<semaphore_mem>>) src(%dma_wait3A_158 : memref<128x128xf32, #tpu.memory_space<vmem>>) dst(%dma_wait3A_155 : memref<128x128xf32, #tpu.memory_space<hbm>>)
    %dma_wait3A_159 = arith.constant 384 : i32
    %dma_wait3A_160 = arith.constant 0 : i32
    %dma_wait3A_161 = tpu.memref_slice %arg6[%dma_wait3A_159, %dma_wait3A_160] : memref<512x128xf32, #tpu.memory_space<vmem>> -> memref<128x128xf32, #tpu.memory_space<vmem>>
    %dma_wait3A_162 = arith.constant 0 : i32
    %dma_wait3A_163 = tpu.memref_slice %arg4[%add3A_118, %dma_wait3A_162] : memref<16384x128xf32, #tpu.memory_space<hbm>> -> memref<128x128xf32, #tpu.memory_space<hbm>>
    %dma_wait3A_164 = arith.constant 0 : i32
    %dma_wait3A_165 = tpu.memref_slice %arg4[%add3A_118, %dma_wait3A_164] : memref<16384x128xf32, #tpu.memory_space<hbm>> -> memref<128x128xf32, #tpu.memory_space<hbm>>
    %dma_wait3A_166 = arith.constant 384 : i32
    %dma_wait3A_167 = arith.constant 0 : i32
    %dma_wait3A_168 = tpu.memref_slice %arg6[%dma_wait3A_166, %dma_wait3A_167] : memref<512x128xf32, #tpu.memory_space<vmem>> -> memref<128x128xf32, #tpu.memory_space<vmem>>
    tpu.wait_dma2 semaphore(%arg11 : memref<!tpu.dma_semaphore, #tpu.memory_space<semaphore_mem>>) src(%dma_wait3A_168 : memref<128x128xf32, #tpu.memory_space<vmem>>) dst(%dma_wait3A_165 : memref<128x128xf32, #tpu.memory_space<hbm>>)
    return
  }
}

module attributes {stable_mosaic.version = 14 : i64} {
  func.func @_mm_body(%arg0: i32, %arg1: memref<512x256xf32, #tpu.memory_space<vmem>>, %arg2: memref<512x256xf32, #tpu.memory_space<vmem>>, %arg3: memref<512x256xf32, #tpu.memory_space<vmem>>, %arg4: memref<512x256xf32, #tpu.memory_space<vmem>>, %arg5: memref<512x256xf32, #tpu.memory_space<vmem>>, %arg6: memref<512x256xf32, #tpu.memory_space<vmem>>, %arg7: memref<512x256xf32, #tpu.memory_space<vmem>>, %arg8: memref<512x256xf32, #tpu.memory_space<vmem>>, %arg9: memref<256x128xf32, #tpu.memory_space<vmem>>, %arg10: memref<4096x128xf32, #tpu.memory_space<vmem>>) attributes {dimension_semantics = [#tpu.dimension_semantics<arbitrary>], iteration_bounds = array<i64: 4>, scalar_prefetch = 0 : i64, scratch_operands = 0 : i64, tpu.core_type = #tpu.core_type<tc>, window_params = [{transform_indices = @transform_0, window_bounds = array<i64: 512, 256>}, {transform_indices = @transform_1, window_bounds = array<i64: 512, 256>}, {transform_indices = @transform_2, window_bounds = array<i64: 512, 256>}, {transform_indices = @transform_3, window_bounds = array<i64: 512, 256>}, {transform_indices = @transform_4, window_bounds = array<i64: 512, 256>}, {transform_indices = @transform_5, window_bounds = array<i64: 512, 256>}, {transform_indices = @transform_6, window_bounds = array<i64: 512, 256>}, {transform_indices = @transform_7, window_bounds = array<i64: 512, 256>}, {pipeline_mode = #tpu.pipeline_mode<synchronous>, transform_indices = @transform_8, window_bounds = array<i64: 256, 128>}, {transform_indices = @transform_9, window_bounds = array<i64: 4096, 128>}]} {
    %get3A = arith.constant 0 : index
    %get3A_0 = arith.constant 0 : index
    %get3A_1 = vector.load %arg1[%get3A, %get3A_0] : memref<512x256xf32, #tpu.memory_space<vmem>>, vector<512x256xf32>
    %get3A_2 = arith.constant 0 : index
    %get3A_3 = arith.constant 0 : index
    %get3A_4 = vector.load %arg9[%get3A_2, %get3A_3] : memref<256x128xf32, #tpu.memory_space<vmem>>, vector<256x128xf32>
    %dot_general3A = arith.constant dense<0.000000e+00> : vector<512x128xf32>
    %dot_general3A_5 = tpu.matmul %get3A_1, %get3A_4, %dot_general3A {dimension_numbers = #tpu.dot_dimension_numbers<[1], [0], [0], [1], [0, 0, 1, 1], [], []>, transpose_lhs_hint = false} : vector<512x256xf32>, vector<256x128xf32>, vector<512x128xf32> -> vector<512x128xf32>
    %swap3A = arith.constant 0 : index
    %swap3A_6 = arith.constant 0 : index
    %swap3A_7 = vector.load %arg10[%swap3A, %swap3A_6] : memref<4096x128xf32, #tpu.memory_space<vmem>>, vector<512x128xf32>
    tpu.vector_store %arg10[%swap3A, %swap3A_6], %dot_general3A_5 {strides = array<i32>} : memref<4096x128xf32, #tpu.memory_space<vmem>>, vector<512x128xf32>,
    %get3A_8 = arith.constant 0 : index
    %get3A_9 = arith.constant 0 : index
    %get3A_10 = vector.load %arg2[%get3A_8, %get3A_9] : memref<512x256xf32, #tpu.memory_space<vmem>>, vector<512x256xf32>
    %get3A_11 = arith.constant 0 : index
    %get3A_12 = arith.constant 0 : index
    %get3A_13 = vector.load %arg9[%get3A_11, %get3A_12] : memref<256x128xf32, #tpu.memory_space<vmem>>, vector<256x128xf32>
    %dot_general3A_14 = arith.constant dense<0.000000e+00> : vector<512x128xf32>
    %dot_general3A_15 = tpu.matmul %get3A_10, %get3A_13, %dot_general3A_14 {dimension_numbers = #tpu.dot_dimension_numbers<[1], [0], [0], [1], [0, 0, 1, 1], [], []>, transpose_lhs_hint = false} : vector<512x256xf32>, vector<256x128xf32>, vector<512x128xf32> -> vector<512x128xf32>
    %swap3A_16 = arith.constant 512 : index
    %swap3A_17 = arith.constant 0 : index
    %swap3A_18 = vector.load %arg10[%swap3A_16, %swap3A_17] : memref<4096x128xf32, #tpu.memory_space<vmem>>, vector<512x128xf32>
    tpu.vector_store %arg10[%swap3A_16, %swap3A_17], %dot_general3A_15 {strides = array<i32>} : memref<4096x128xf32, #tpu.memory_space<vmem>>, vector<512x128xf32>,
    %get3A_19 = arith.constant 0 : index
    %get3A_20 = arith.constant 0 : index
    %get3A_21 = vector.load %arg3[%get3A_19, %get3A_20] : memref<512x256xf32, #tpu.memory_space<vmem>>, vector<512x256xf32>
    %get3A_22 = arith.constant 0 : index
    %get3A_23 = arith.constant 0 : index
    %get3A_24 = vector.load %arg9[%get3A_22, %get3A_23] : memref<256x128xf32, #tpu.memory_space<vmem>>, vector<256x128xf32>
    %dot_general3A_25 = arith.constant dense<0.000000e+00> : vector<512x128xf32>
    %dot_general3A_26 = tpu.matmul %get3A_21, %get3A_24, %dot_general3A_25 {dimension_numbers = #tpu.dot_dimension_numbers<[1], [0], [0], [1], [0, 0, 1, 1], [], []>, transpose_lhs_hint = false} : vector<512x256xf32>, vector<256x128xf32>, vector<512x128xf32> -> vector<512x128xf32>
    %swap3A_27 = arith.constant 1024 : index
    %swap3A_28 = arith.constant 0 : index
    %swap3A_29 = vector.load %arg10[%swap3A_27, %swap3A_28] : memref<4096x128xf32, #tpu.memory_space<vmem>>, vector<512x128xf32>
    tpu.vector_store %arg10[%swap3A_27, %swap3A_28], %dot_general3A_26 {strides = array<i32>} : memref<4096x128xf32, #tpu.memory_space<vmem>>, vector<512x128xf32>,
    %get3A_30 = arith.constant 0 : index
    %get3A_31 = arith.constant 0 : index
    %get3A_32 = vector.load %arg4[%get3A_30, %get3A_31] : memref<512x256xf32, #tpu.memory_space<vmem>>, vector<512x256xf32>
    %get3A_33 = arith.constant 0 : index
    %get3A_34 = arith.constant 0 : index
    %get3A_35 = vector.load %arg9[%get3A_33, %get3A_34] : memref<256x128xf32, #tpu.memory_space<vmem>>, vector<256x128xf32>
    %dot_general3A_36 = arith.constant dense<0.000000e+00> : vector<512x128xf32>
    %dot_general3A_37 = tpu.matmul %get3A_32, %get3A_35, %dot_general3A_36 {dimension_numbers = #tpu.dot_dimension_numbers<[1], [0], [0], [1], [0, 0, 1, 1], [], []>, transpose_lhs_hint = false} : vector<512x256xf32>, vector<256x128xf32>, vector<512x128xf32> -> vector<512x128xf32>
    %swap3A_38 = arith.constant 1536 : index
    %swap3A_39 = arith.constant 0 : index
    %swap3A_40 = vector.load %arg10[%swap3A_38, %swap3A_39] : memref<4096x128xf32, #tpu.memory_space<vmem>>, vector<512x128xf32>
    tpu.vector_store %arg10[%swap3A_38, %swap3A_39], %dot_general3A_37 {strides = array<i32>} : memref<4096x128xf32, #tpu.memory_space<vmem>>, vector<512x128xf32>,
    %get3A_41 = arith.constant 0 : index
    %get3A_42 = arith.constant 0 : index
    %get3A_43 = vector.load %arg5[%get3A_41, %get3A_42] : memref<512x256xf32, #tpu.memory_space<vmem>>, vector<512x256xf32>
    %get3A_44 = arith.constant 0 : index
    %get3A_45 = arith.constant 0 : index
    %get3A_46 = vector.load %arg9[%get3A_44, %get3A_45] : memref<256x128xf32, #tpu.memory_space<vmem>>, vector<256x128xf32>
    %dot_general3A_47 = arith.constant dense<0.000000e+00> : vector<512x128xf32>
    %dot_general3A_48 = tpu.matmul %get3A_43, %get3A_46, %dot_general3A_47 {dimension_numbers = #tpu.dot_dimension_numbers<[1], [0], [0], [1], [0, 0, 1, 1], [], []>, transpose_lhs_hint = false} : vector<512x256xf32>, vector<256x128xf32>, vector<512x128xf32> -> vector<512x128xf32>
    %swap3A_49 = arith.constant 2048 : index
    %swap3A_50 = arith.constant 0 : index
    %swap3A_51 = vector.load %arg10[%swap3A_49, %swap3A_50] : memref<4096x128xf32, #tpu.memory_space<vmem>>, vector<512x128xf32>
    tpu.vector_store %arg10[%swap3A_49, %swap3A_50], %dot_general3A_48 {strides = array<i32>} : memref<4096x128xf32, #tpu.memory_space<vmem>>, vector<512x128xf32>,
    %get3A_52 = arith.constant 0 : index
    %get3A_53 = arith.constant 0 : index
    %get3A_54 = vector.load %arg6[%get3A_52, %get3A_53] : memref<512x256xf32, #tpu.memory_space<vmem>>, vector<512x256xf32>
    %get3A_55 = arith.constant 0 : index
    %get3A_56 = arith.constant 0 : index
    %get3A_57 = vector.load %arg9[%get3A_55, %get3A_56] : memref<256x128xf32, #tpu.memory_space<vmem>>, vector<256x128xf32>
    %dot_general3A_58 = arith.constant dense<0.000000e+00> : vector<512x128xf32>
    %dot_general3A_59 = tpu.matmul %get3A_54, %get3A_57, %dot_general3A_58 {dimension_numbers = #tpu.dot_dimension_numbers<[1], [0], [0], [1], [0, 0, 1, 1], [], []>, transpose_lhs_hint = false} : vector<512x256xf32>, vector<256x128xf32>, vector<512x128xf32> -> vector<512x128xf32>
    %swap3A_60 = arith.constant 2560 : index
    %swap3A_61 = arith.constant 0 : index
    %swap3A_62 = vector.load %arg10[%swap3A_60, %swap3A_61] : memref<4096x128xf32, #tpu.memory_space<vmem>>, vector<512x128xf32>
    tpu.vector_store %arg10[%swap3A_60, %swap3A_61], %dot_general3A_59 {strides = array<i32>} : memref<4096x128xf32, #tpu.memory_space<vmem>>, vector<512x128xf32>,
    %get3A_63 = arith.constant 0 : index
    %get3A_64 = arith.constant 0 : index
    %get3A_65 = vector.load %arg7[%get3A_63, %get3A_64] : memref<512x256xf32, #tpu.memory_space<vmem>>, vector<512x256xf32>
    %get3A_66 = arith.constant 0 : index
    %get3A_67 = arith.constant 0 : index
    %get3A_68 = vector.load %arg9[%get3A_66, %get3A_67] : memref<256x128xf32, #tpu.memory_space<vmem>>, vector<256x128xf32>
    %dot_general3A_69 = arith.constant dense<0.000000e+00> : vector<512x128xf32>
    %dot_general3A_70 = tpu.matmul %get3A_65, %get3A_68, %dot_general3A_69 {dimension_numbers = #tpu.dot_dimension_numbers<[1], [0], [0], [1], [0, 0, 1, 1], [], []>, transpose_lhs_hint = false} : vector<512x256xf32>, vector<256x128xf32>, vector<512x128xf32> -> vector<512x128xf32>
    %swap3A_71 = arith.constant 3072 : index
    %swap3A_72 = arith.constant 0 : index
    %swap3A_73 = vector.load %arg10[%swap3A_71, %swap3A_72] : memref<4096x128xf32, #tpu.memory_space<vmem>>, vector<512x128xf32>
    tpu.vector_store %arg10[%swap3A_71, %swap3A_72], %dot_general3A_70 {strides = array<i32>} : memref<4096x128xf32, #tpu.memory_space<vmem>>, vector<512x128xf32>,
    %get3A_74 = arith.constant 0 : index
    %get3A_75 = arith.constant 0 : index
    %get3A_76 = vector.load %arg8[%get3A_74, %get3A_75] : memref<512x256xf32, #tpu.memory_space<vmem>>, vector<512x256xf32>
    %get3A_77 = arith.constant 0 : index
    %get3A_78 = arith.constant 0 : index
    %get3A_79 = vector.load %arg9[%get3A_77, %get3A_78] : memref<256x128xf32, #tpu.memory_space<vmem>>, vector<256x128xf32>
    %dot_general3A_80 = arith.constant dense<0.000000e+00> : vector<512x128xf32>
    %dot_general3A_81 = tpu.matmul %get3A_76, %get3A_79, %dot_general3A_80 {dimension_numbers = #tpu.dot_dimension_numbers<[1], [0], [0], [1], [0, 0, 1, 1], [], []>, transpose_lhs_hint = false} : vector<512x256xf32>, vector<256x128xf32>, vector<512x128xf32> -> vector<512x128xf32>
    %swap3A_82 = arith.constant 3584 : index
    %swap3A_83 = arith.constant 0 : index
    %swap3A_84 = vector.load %arg10[%swap3A_82, %swap3A_83] : memref<4096x128xf32, #tpu.memory_space<vmem>>, vector<512x128xf32>
    tpu.vector_store %arg10[%swap3A_82, %swap3A_83], %dot_general3A_81 {strides = array<i32>} : memref<4096x128xf32, #tpu.memory_space<vmem>>, vector<512x128xf32>,
    return
  }
  func.func @transform_0(%arg0: i32) -> (i32, i32) {
    %mul3A = arith.constant 8 : i32
    %mul3A_0 = arith.muli %mul3A, %arg0 : i32
    %add3A = arith.constant 0 : i32
    %add3A_1 = arith.addi %mul3A_0, %add3A : i32
    %c0_i32 = arith.constant 0 : i32
    %c0_i32_2 = arith.constant 0 : i32
    return %add3A_1, %c0_i32 : i32, i32
  }
  func.func @transform_1(%arg0: i32) -> (i32, i32) {
    %mul3A = arith.constant 8 : i32
    %mul3A_0 = arith.muli %mul3A, %arg0 : i32
    %add3A = arith.constant 1 : i32
    %add3A_1 = arith.addi %mul3A_0, %add3A : i32
    %c0_i32 = arith.constant 0 : i32
    %c0_i32_2 = arith.constant 0 : i32
    return %add3A_1, %c0_i32 : i32, i32
  }
  func.func @transform_2(%arg0: i32) -> (i32, i32) {
    %mul3A = arith.constant 8 : i32
    %mul3A_0 = arith.muli %mul3A, %arg0 : i32
    %add3A = arith.constant 2 : i32
    %add3A_1 = arith.addi %mul3A_0, %add3A : i32
    %c0_i32 = arith.constant 0 : i32
    %c0_i32_2 = arith.constant 0 : i32
    return %add3A_1, %c0_i32 : i32, i32
  }
  func.func @transform_3(%arg0: i32) -> (i32, i32) {
    %mul3A = arith.constant 8 : i32
    %mul3A_0 = arith.muli %mul3A, %arg0 : i32
    %add3A = arith.constant 3 : i32
    %add3A_1 = arith.addi %mul3A_0, %add3A : i32
    %c0_i32 = arith.constant 0 : i32
    %c0_i32_2 = arith.constant 0 : i32
    return %add3A_1, %c0_i32 : i32, i32
  }
  func.func @transform_4(%arg0: i32) -> (i32, i32) {
    %mul3A = arith.constant 8 : i32
    %mul3A_0 = arith.muli %mul3A, %arg0 : i32
    %add3A = arith.constant 4 : i32
    %add3A_1 = arith.addi %mul3A_0, %add3A : i32
    %c0_i32 = arith.constant 0 : i32
    %c0_i32_2 = arith.constant 0 : i32
    return %add3A_1, %c0_i32 : i32, i32
  }
  func.func @transform_5(%arg0: i32) -> (i32, i32) {
    %mul3A = arith.constant 8 : i32
    %mul3A_0 = arith.muli %mul3A, %arg0 : i32
    %add3A = arith.constant 5 : i32
    %add3A_1 = arith.addi %mul3A_0, %add3A : i32
    %c0_i32 = arith.constant 0 : i32
    %c0_i32_2 = arith.constant 0 : i32
    return %add3A_1, %c0_i32 : i32, i32
  }
  func.func @transform_6(%arg0: i32) -> (i32, i32) {
    %mul3A = arith.constant 8 : i32
    %mul3A_0 = arith.muli %mul3A, %arg0 : i32
    %add3A = arith.constant 6 : i32
    %add3A_1 = arith.addi %mul3A_0, %add3A : i32
    %c0_i32 = arith.constant 0 : i32
    %c0_i32_2 = arith.constant 0 : i32
    return %add3A_1, %c0_i32 : i32, i32
  }
  func.func @transform_7(%arg0: i32) -> (i32, i32) {
    %mul3A = arith.constant 8 : i32
    %mul3A_0 = arith.muli %mul3A, %arg0 : i32
    %add3A = arith.constant 7 : i32
    %add3A_1 = arith.addi %mul3A_0, %add3A : i32
    %c0_i32 = arith.constant 0 : i32
    %c0_i32_2 = arith.constant 0 : i32
    return %add3A_1, %c0_i32 : i32, i32
  }
  func.func @transform_8(%arg0: i32) -> (i32, i32) {
    %c0_i32 = arith.constant 0 : i32
    %c0_i32_0 = arith.constant 0 : i32
    %c0_i32_1 = arith.constant 0 : i32
    return %c0_i32, %c0_i32_0 : i32, i32
  }
  func.func @transform_9(%arg0: i32) -> (i32, i32) {
    %c0_i32 = arith.constant 0 : i32
    %c0_i32_0 = arith.constant 0 : i32
    return %arg0, %c0_i32 : i32, i32
  }
}

</mosaic_0001>

<sc_bundles>
// kernel: kernel.4.cloned.1.call-start
scs
__scs_entry_jumppad:
0x0: {  	(pc) =	sbr.rel $0x88, $3  }
0x1: {  	(tag) =	ssettag $0x0;
	lr =	simm.s32 $0x1  }
0x2: {  	[smem:$0x3F9D] =	sst lr;
	_ =	strace $0xD0000000  }
0x3: {  	_ = 	snop  }
0x4: {  	_ = 	snop  }
0x5: {  	_ = 	snop  }
0x6: {  	_ = 	snop  }
0x7: {  	_ = 	snop  }
__scs_overlays_trampoline_lowered:
0x8: {  	[smem:$0x3FAC] =	sst s0  }
0x9: {  	[smem:$0x3FAD] =	sst s1  }
0xa: {  	[smem:$0x3FAE] =	sst s2  }
0xb: {  	[smem:$0x3FAF] =	sst s3  }
0xc: {  	[smem:$0x3FB0] =	sst s4  }
0xd: {  	[smem:$0x3FB1] =	sst s5  }
0xe: {  	[smem:$0x3FB2] =	sst s6  }
0xf: {  	[smem:$0x3FB3] =	sst s7  }
0x10: {  	[smem:$0x3FB4] =	sst s8  }
0x11: {  	[smem:$0x3FB5] =	sst s9;
	s0 =	simm.s32 @!p0 $0x0  }
0x12: {  	s1 =	sld [smem:$0x3F9B];
	s0 =	simm.s32 @p0 $0x1  }
0x13: {  	[smem:$0x3FB6] =	sst s0;
	s0 =	simm.s32 @!p1 $0x0  }
0x14: {  	s2 =	sld [smem:$0x3F9A];
	s0 =	simm.s32 @p1 $0x1  }
0x15: {  	[smem:$0x3FB7] =	sst s0;
	s0 =	simm.s32 @!p2 $0x0  }
0x16: {  	s3 =	sld [smem:$0x3FDB];
	s0 =	simm.s32 @p2 $0x1  }
0x17: {  	s4 =	simm.s32 $0x1BF5;
	[smem:$0x3FB9] =	sst s0  }
0x18: {  	s0 =	sld [smem:$0x3F9C];
	_ =	swait.ge [sflag:s4], $0x0  }
0x19: {  	s7 =	sld [smem:$0x3F9D]  }
0x1a: {  	s8 =	sadd.s32 $0xFFFFE003, lr  }
0x1b: {  	s9 =	sadd.s32 $0xFFFFFEF7, lr;
	s5 =	simm.s32 $0xFFFFFFFF;
	p2 =	slt.u32 s8, $0xFFFFF086  }
0x1c: {  	p1 =	slt.u32 s9, $0xF7A;
	s5 =	simm.s32 @!p2 $0x0  }
0x1d: {  	s5 =	simm.s32 @p1 $0x1;
	p0 =	seq.s32 s7, s2  }
0x1e: {  	s7 =	smul.u32 @!p0 $0xF7A, s2;
	p2 =	seq.s32 @!p0 s5, $0x0  }
0x1f: {  	s9 =	smul.u32 $0xF7A, s1;
	s8 =	simm.s32 @!p0 $0x1BF5;
	p2 =	por !p2, p0  }
0x20: {  	[sflag:s8] =	ssyncset.s32 @!p0 $0xFFFFF086;
	s6 =	sadd.s32 @!p0 s3, s7;
	s7 =	simm.s32 @!p0 $0x108  }
0x21: {  	s3 =	sadd.s32 s3, s9;
	s6 =	sadd.s32 @!p0 $0x88, s6;
	s7 =	simm.s32 @p2 $0x1082  }
0x22: {  	[simem:s7], [sflag:s8] =	dma.local @!p0 [hbm:s6], $0xF7A  }
0x23: {  	s9 =	sor.u32 $0xD0000000, s2;
	s6 =	simm.s32 $0x108;
	_ =	swait.ge @!p0 [sflag:s8], $0x0  }
0x24: {  	s3 =	sadd.s32 $0x88, s3;
	s6 =	simm.s32 @!p1 $0x1082;
	[sflag:s4] =	ssyncset.s32 $0xFFFFF086  }
0x25: {  	[simem:s6], [sflag:s4] =	dma.local [hbm:s3], $0xF7A  }
0x26: {  	[smem:$0x3F9D] =	sst s1;
	(tag) =	ssettag s2;
	_ =	strace s9  }
0x27: {  	s1 =	sld [smem:$0x3FAD]  }
0x28: {  	s2 =	sld [smem:$0x3FAE]  }
0x29: {  	s4 =	sld [smem:$0x3FB0]  }
0x2a: {  	p0 =	seq.s32 s5, $0x0;
	s5 =	sld [smem:$0x3FB1]  }
0x2b: {  	s6 =	sld [smem:$0x3FB2]  }
0x2c: {  	s7 =	sld [smem:$0x3FB3]  }
0x2d: {  	s3 =	simm.s32 $0x108;
	s8 =	sld [smem:$0x3FB4]  }
0x2e: {  	s3 =	simm.s32 @!p0 $0x1082;
	s9 =	sld [smem:$0x3FB5]  }
0x2f: {  	lr =	sadd.s32 s0, s3;
	s0 =	sld [smem:$0x3FAC]  }
0x30: {  	s3 =	sld [smem:$0x3FAF]  }
0x31: {  	[smem:$0x3FB8] =	sst s10  }
0x32: {  	s10 =	sld [smem:$0x3FB6];
	_ =	sdelay $0x3  }
0x33: {  	p0 =	seq.s32 s10, $0x1;
	s10 =	sld [smem:$0x3FB8];
	_ =	sdelay $0x3  }
0x34: {  	[smem:$0x3FB8] =	sst s10  }
0x35: {  	s10 =	sld [smem:$0x3FB7];
	_ =	sdelay $0x3  }
0x36: {  	p1 =	seq.s32 s10, $0x1;
	s10 =	sld [smem:$0x3FB8];
	_ =	sdelay $0x3  }
0x37: {  	[smem:$0x3FB8] =	sst s10  }
0x38: {  	s10 =	sld [smem:$0x3FB9]  }
0x39: {  	_ = 	snop;
	(pc) =	sbr.ind lr, $3  }
0x3a: {  	_ = 	snop  }
0x3b: {  	_ = 	snop  }
0x3c: {  	p2 =	seq.s32 s10, $0x1;
	s10 =	sld [smem:$0x3FB8]  }
0x3d: {  	_ =	shalt  }
0x3e: {  	_ =	shalt  }
0x3f: {  	_ =	shalt  }
0x40: {  	_ =	shalt  }
0x41: {  	_ =	shalt  }
0x42: {  	_ =	shalt  }
0x43: {  	_ =	shalt  }
0x44: {  	_ =	shalt  }
0x45: {  	_ =	shalt  }
0x46: {  	_ =	shalt  }
0x47: {  	_ =	shalt  }
0x48: {  	_ =	shalt  }
0x49: {  	_ =	shalt  }
0x4a: {  	_ =	shalt  }
0x4b: {  	_ =	shalt  }
0x4c: {  	_ =	shalt  }
0x4d: {  	_ =	shalt  }
0x4e: {  	_ =	shalt  }
0x4f: {  	_ =	shalt  }
0x50: {  	_ =	shalt  }
0x51: {  	_ =	shalt  }
0x52: {  	_ =	shalt  }
0x53: {  	_ =	shalt  }
0x54: {  	_ =	shalt  }
0x55: {  	_ =	shalt  }
0x56: {  	_ =	shalt  }
0x57: {  	_ =	shalt  }
0x58: {  	_ =	shalt  }
0x59: {  	_ =	shalt  }
0x5a: {  	_ =	shalt  }
0x5b: {  	_ =	shalt  }
0x5c: {  	_ =	shalt  }
0x5d: {  	_ =	shalt  }
0x5e: {  	_ =	shalt  }
0x5f: {  	_ =	shalt  }
0x60: {  	_ =	shalt  }
0x61: {  	_ =	shalt  }
0x62: {  	_ =	shalt  }
0x63: {  	_ =	shalt  }
0x64: {  	_ =	shalt  }
0x65: {  	_ =	shalt  }
0x66: {  	_ =	shalt  }
0x67: {  	_ =	shalt  }
0x68: {  	_ =	shalt  }
0x69: {  	_ =	shalt  }
0x6a: {  	_ =	shalt  }
0x6b: {  	_ =	shalt  }
0x6c: {  	_ =	shalt  }
0x6d: {  	_ =	shalt  }
0x6e: {  	_ =	shalt  }
0x6f: {  	_ =	shalt  }
0x70: {  	_ =	shalt  }
0x71: {  	_ =	shalt  }
0x72: {  	_ =	shalt  }
0x73: {  	_ =	shalt  }
0x74: {  	_ =	shalt  }
0x75: {  	_ =	shalt  }
0x76: {  	_ =	shalt  }
0x77: {  	_ =	shalt  }
0x78: {  	_ =	shalt  }
0x79: {  	_ =	shalt  }
0x7a: {  	_ =	shalt  }
0x7b: {  	_ =	shalt  }
0x7c: {  	_ =	shalt  }
0x7d: {  	_ =	shalt  }
0x7e: {  	_ =	shalt  }
0x7f: {  	_ =	shalt  }
0x80: {  	_ =	shalt  }
0x81: {  	_ =	shalt  }
0x82: {  	_ =	shalt  }
0x83: {  	_ =	shalt  }
0x84: {  	_ =	shalt  }
0x85: {  	_ =	shalt  }
0x86: {  	_ =	shalt  }
0x87: {  	_ =	shalt  }
.Lfunc_end0:
.L_simem_size_0:
called_computation_lowered:
.L_overlay_start_0:
0x88: {  	s2 =	sld [smem:$0x3FD9]  }
0x89: {  	s3 =	sld [smem:$0x3FFE];
	_ =	sdelay $0x1  }
0x8a: {  	s1 =	srdreg.scid  }
0x8b: {  	s0 =	sand.u32 $0x1, s1  }
0x8c: {  	s15 =	sshll.u32 s0, $0xA;
	s2 =	sadd.s32 s3, s2  }
0x8d: {  	s2 =	sadd.s32 s2, s15  }
0x8e: {  	[smem:$0x3FC4] =	sst s2  }
0x8f: {  	_ = 	snop  }
0x90: {  	s2 =	sld [smem:$0x3FD0];
	_ =	sdelay $0x1  }
0x91: {  	s16 =	sld [smem:$0x3FC8]  }
0x92: {  	s5 =	simm.s32 $0xA;
	s6 =	simm.s32 $0x10;
	s4 =	sld [smem:$0x3FC7]  }
0x93: {  	[smem:s6], [sflag:s5] =	dma.local [hbm:s2], $0x1  }
0x94: {  	_ =	swait.eq [sflag:s5], $0x1  }
0x95: {  	[sflag:s5] =	ssyncset.done $0x0  }
0x96: {  	[sflag:s5] =	ssyncadd.s32 $0xFFFFFFFF  }
0x97: {  	s17 =	sld [smem:$0x10];
	(tm) =	ssettm $0x1  }
0x98: {  	s18 =	sld [smem:$0x3FFB];
	_ =	sdelay $0x3  }
0x99: {  	_ =	strace s18  }
0x9a: {  	s5 =	sld [smem:$0x3FFC];
	_ =	sdelay $0x3  }
0x9b: {  	_ =	strace s5  }
0x9c: {  	s5 =	sld [smem:$0x3FFD];
	_ =	sdelay $0x3  }
0x9d: {  	_ =	strace s5  }
0x9e: {  	_ =	strace $0x8FFFFFFF  }
0x9f: {  	s19 =	sld [smem:$0x3FDB];
	_ =	sdelay $0x1  }
0xa0: {  	s20 =	simm.s32 $_scs_section_size  }
0xa1: {  	s7 =	simm.s32 $_size__tile_overlayer_lowered;
	s8 =	simm.s32 $_tile_overlayer_lowered  }
0xa2: {  	s23 =	simm.s32 $0x1BFF;
	s22 =	sshll.u32 s8, $0x1;
	s5 =	sadd.s32 s20, s19  }
0xa3: {  	s9 =	simm.s32 $0x0;
	s21 =	sshll.u32 s7, $0x1;
	s7 =	sadd.s32 s22, s5  }
0xa4: {  	[timem:s9], [sflag:s23] =	dma.local [hbm:s7], s21  }
0xa5: {  	_ =	swait.ge [sflag:s23], s21  }
0xa6: {  	s6 =	ssub.s32 $0x0, s21;
	[sflag:s23] =	ssyncset.done $0x0  }
0xa7: {  	[sflag:s23] =	ssyncadd.s32 s6;
	_ =	sdelay $0x1  }
0xa8: {  	s24 =	simm.s32 $0x1B8B  }
0xa9: {  	_ =	swait.ge [sflag:s24], $0x1  }
0xaa: {  	[sflag:s24] =	ssyncset.done $0x0  }
0xab: {  	s25 =	simm.s32 $0x1B8E;
	[sflag:s24] =	ssyncadd.s32 $0xFFFFFFFF  }
0xac: {  	s26 =	simm.s32 $execute0_lowered;
	[smem:$0x3FD2] =	sst s25  }
0xad: {  	s6 =	sshll.u32 s26, $0x1;
	_ =	strace $0x80000046;
	[dreg:$0x1] =	wrdreg $0xFFFFFFFF  }
0xae: {  	s28 =	simm.s32 $_size_execute0_lowered;
	s5 =	sadd.s32 s5, s6;
	[dreg:$0x0] =	wrdreg $0x0  }
0xaf: {  	s6 =	sshll.u32 s28, $0x1;
	[dreg:$0x2] =	wrdreg s5  }
0xb0: {  	[dreg:$0x3] =	wrdreg s6  }
0xb1: {  	[dreg:$0x4] =	wrdreg $0xC0  }
0xb2: {  	_ =	task [dreg:s9], $0x5FFFF  }
0xb3: {  	[dreg:$0x1] =	wrdreg $0xFFFFFFFF  }
0xb4: {  	[dreg:$0x0] =	wrdreg $0x60  }
0xb5: {  	[dreg:$0x2] =	wrdreg s4  }
0xb6: {  	[dreg:$0x3] =	wrdreg s16  }
0xb7: {  	[dreg:$0x4] =	wrdreg s17  }
0xb8: {  	[dreg:$0x5] =	wrdreg $0x9  }
0xb9: {  	_ =	task.clear_ibuf [dreg:s9], $0x6FFFF;
	_ =	strace $0x90000046  }
0xba: {  	s29 =	simm.s32 $0x9;
	_ =	strace $0x80000048  }
0xbb: {  	_ =	swait.ge [sflag:s29], $0x1  }
0xbc: {  	[sflag:s29] =	ssyncadd.s32 $0xFFFFFFFF  }
0xbd: {  	_ =	strace $0x90000048  }
0xbe: {  	_ =	sfence  }
0xbf: {  	s30 =	sld [smem:$0x0];
	_ =	sdelay $0x2  }
0xc0: {  	s31 =	sshll.u32 s1, $0xD;
	s1 =	sshrl.u32 s1, $0x2  }
0xc1: {  	s3 =	sand.u32 $0x4000, s31;
	s1 =	sadd.s32 s1, s30  }
0xc2: {  	s0 =	sor.u32 s3, s0;
	s1 =	sshll.u32 s1, $0x11  }
0xc3: {  	s0 =	sor.u32 s1, s0  }
0xc4: {  	s0 =	sadd.s32 $0x8F2B, s0  }
0xc5: {  	[sflag:s0] =	ssyncadd.remote.s32 $0x1  }
0xc6: {  	_ =	sfence.sel $0xFFFF  }
0xc7: {  	[dreg:$0x0] =	wrdreg $0xFFFFFFFF;
	(pc) =	sbr.abs _section_cstart, $3  }
0xc8: {  	[dreg:$0x1] =	wrdreg $0xFFFFFFFF  }
0xc9: {  	_ =	task.clear_ibuf [dreg:s9], $0x2FFFF;
	_ =	strace $0x9FFFFFFF  }
0xca: {  	(tm) =	ssettm $0x7FFFFFFF  }
0xcb: {  	_ =	shalt  }
tec
execute0_lowered:
.L_overlay_start_1:
0x0: {  	(tag) =	ssettag $0x1  }
0x1: {  	s1 =	rddreg [dreg:$0x0];
	s2 =	srdreg.scid  }
0x2: {  	s4 =	rddreg [dreg:$0x1];
	s0 =	stileid.u32;
	s22 =	sand.u32 $0x1, s2  }
0x3: {  	s15 =	rddreg [dreg:$0x2];
	s5 =	sshll.u32 s0, $0xA;
	s6 =	sshll.u32 s22, $0x9  }
0x4: {  	s3 =	simm.s32 $0x0;
	s2 =	rddreg [dreg:$0x3];
	s13 =	sor.u32 s6, s5  }
0x5: {  	[smem:$0x7FF] =	sst s3;
	s5 =	sshrl.u32 s13, $0x3  }
0x6: {  	_ =	strace $0x80000047;
	s4 =	sadd.s32 s4, s5;
	s5 =	simm.s32 $0x6  }
0x7: {  	[tilespmem:s3], [sflag:$0x6] =	stream.linear.gather [hbm4b:s4+s3], $0x200, $0x38;
	[tilespmem:$0x10200] =	vst v63  }
0x8: {  	_ =	swait.ge [sflag:s5], $0x200  }
0x9: {  	[sflag:s5] =	ssyncset.done $0x0  }
0xa: {  	s7 =	simm.s32 $0x200;
	s6 =	simm.s32 $0x80;
	[sflag:s5] =	ssyncadd.s32 $0xFFFFFE00  }
0xb: {  	[tilespmem:s7], [sflag:$0x1] =	stream.indirect.gather [hbm4b:s1+s6], $0x80, s3, s6, $0xb8;
	[tilespmem:$0x10200] =	vst v63  }
0xc: {  	s8 =	simm.s32 $0x4200;
	s9 =	simm.s32 $0x1  }
0xd: {  	[tilespmem:s8], [sflag:$0x2] =	stream.indirect.gather [hbm4b:s1+s6], $0x80, s6, s6, $0xb8;
	[tilespmem:$0x10200] =	vst v63  }
0xe: {  	_ =	swait.ge [sflag:s9], $0x4000  }
0xf: {  	[sflag:s9] =	ssyncset.done $0x0  }
0x10: {  	s10 =	simm.s32 $0x2;
	[sflag:s9] =	ssyncadd.s32 $0xFFFFC000  }
0x11: {  	_ =	swait.ge [sflag:s10], $0x4000  }
0x12: {  	[sflag:s10] =	ssyncset.done $0x0  }
0x13: {  	s11 =	simm.s32 $0x100;
	s12 =	simm.s32 $0x8200;
	[sflag:s10] =	ssyncadd.s32 $0xFFFFC000  }
0x14: {  	[tilespmem:s12], [sflag:$0x3] =	stream.indirect.gather [hbm4b:s1+s6], $0x80, s11, s6, $0xb8;
	[tilespmem:$0x10200] =	vst v63  }
0x15: {  	s14 =	simm.s32 $0xC200;
	s16 =	sshll.u32 s13, $0x4;
	s13 =	simm.s32 $0x180  }
0x16: {  	[tilespmem:s14], [sflag:$0x4] =	stream.indirect.gather [hbm4b:s1+s6], $0x80, s13, s6, $0xb8;
	[tilespmem:$0x10200] =	vst v63  }
0x17: {  	s15 =	sadd.s32 s15, s16  }
0x18: {  	[hbm4b:s15+s3] =	stream.linear.scatter [tilespmem:s7], [sflag:$0x5], $0x4000, $0x38;
	[tilespmem:$0x10200] =	vst v63  }
0x19: {  	s17 =	simm.s32 $0x3;
	s16 =	sadd.s32 $0x800, s15  }
0x1a: {  	[hbm4b:s16+s3] =	stream.linear.scatter [tilespmem:s8], [sflag:$0x5], $0x4000, $0x38;
	[tilespmem:$0x10200] =	vst v63  }
0x1b: {  	_ =	swait.ge [sflag:s17], $0x4000  }
0x1c: {  	[sflag:s17] =	ssyncset.done $0x0  }
0x1d: {  	s18 =	simm.s32 $0x4;
	[sflag:s17] =	ssyncadd.s32 $0xFFFFC000  }
0x1e: {  	_ =	swait.ge [sflag:s18], $0x4000  }
0x1f: {  	[sflag:s18] =	ssyncset.done $0x0  }
0x20: {  	s19 =	sadd.s32 $0x1000, s15;
	[sflag:s18] =	ssyncadd.s32 $0xFFFFC000  }
0x21: {  	[hbm4b:s19+s3] =	stream.linear.scatter [tilespmem:s12], [sflag:$0x5], $0x4000, $0x38;
	[tilespmem:$0x10200] =	vst v63  }
0x22: {  	s20 =	simm.s32 $0x5;
	s21 =	sadd.s32 $0x1800, s15  }
0x23: {  	[hbm4b:s21+s3] =	stream.linear.scatter [tilespmem:s14], [sflag:$0x5], $0x4000, $0x38;
	[tilespmem:$0x10200] =	vst v63  }
0x24: {  	_ =	swait.ge [sflag:s20], $0x4000  }
0x25: {  	s22 =	ssub.s32 $0x2, s22;
	[sflag:s20] =	ssyncset.done $0x0  }
0x26: {  	s23 =	sshrl.u32 s22, $0x1;
	[sflag:s20] =	ssyncadd.s32 $0xFFFFC000  }
0x27: {  	s22 =	ssub.s32 s22, s23;
	_ =	swait.ge [sflag:s20], $0x4000  }
0x28: {  	s22 =	smax.u32 s22, $0x1;
	[sflag:s20] =	ssyncset.done $0x0  }
0x29: {  	p0 =	sne.s32 s22, $0x1;
	[sflag:s20] =	ssyncadd.s32 $0xFFFFC000  }
.Ltmp0:
0x2a: {  	_ =	swait.ge [sflag:s20], $0x4000;
	(pc) =	sbr.rel @!p0 .LBB2_2-.Ltmp0, $4  }
0x2b: {  	[sflag:s20] =	ssyncset.done $0x0  }
0x2c: {  	[sflag:s20] =	ssyncadd.s32 $0xFFFFC000  }
0x2d: {  	_ =	swait.ge [sflag:s20], $0x4000  }
0x2e: {  	s22 =	sadd.s32 $0xFFFFFFFF, s22;
	[sflag:s20] =	ssyncset.done $0x0  }
.LBB2_1:
0x2f: {  	p0 =	sne.s32 s22, $0x1;
	s22 =	sadd.s32 $0xFFFFFFFF, s22;
	[sflag:s20] =	ssyncadd.s32 $0xFFFFC000  }
0x30: {  	[tilespmem:s3], [sflag:$0x6] =	stream.linear.gather [hbm4b:s4+s3], $0x200, $0x38;
	[tilespmem:$0x10200] =	vst v63  }
0x31: {  	_ =	swait.ge [sflag:s5], $0x200  }
0x32: {  	[sflag:s5] =	ssyncset.done $0x0  }
0x33: {  	[sflag:s5] =	ssyncadd.s32 $0xFFFFFE00  }
0x34: {  	[tilespmem:s7], [sflag:$0x1] =	stream.indirect.gather [hbm4b:s1+s6], $0x80, s3, s6, $0xb8;
	[tilespmem:$0x10200] =	vst v63  }
0x35: {  	_ = 	snop  }
0x36: {  	[tilespmem:s8], [sflag:$0x2] =	stream.indirect.gather [hbm4b:s1+s6], $0x80, s6, s6, $0xb8;
	[tilespmem:$0x10200] =	vst v63  }
0x37: {  	_ =	swait.ge [sflag:s9], $0x4000  }
0x38: {  	[sflag:s9] =	ssyncset.done $0x0  }
0x39: {  	[sflag:s9] =	ssyncadd.s32 $0xFFFFC000  }
0x3a: {  	_ =	swait.ge [sflag:s10], $0x4000  }
0x3b: {  	[sflag:s10] =	ssyncset.done $0x0  }
0x3c: {  	[sflag:s10] =	ssyncadd.s32 $0xFFFFC000  }
0x3d: {  	[tilespmem:s12], [sflag:$0x3] =	stream.indirect.gather [hbm4b:s1+s6], $0x80, s11, s6, $0xb8;
	[tilespmem:$0x10200] =	vst v63  }
0x3e: {  	_ = 	snop  }
0x3f: {  	[tilespmem:s14], [sflag:$0x4] =	stream.indirect.gather [hbm4b:s1+s6], $0x80, s13, s6, $0xb8;
	[tilespmem:$0x10200] =	vst v63  }
0x40: {  	_ = 	snop  }
0x41: {  	[hbm4b:s15+s3] =	stream.linear.scatter [tilespmem:s7], [sflag:$0x5], $0x4000, $0x38;
	[tilespmem:$0x10200] =	vst v63  }
0x42: {  	_ = 	snop  }
0x43: {  	[hbm4b:s16+s3] =	stream.linear.scatter [tilespmem:s8], [sflag:$0x5], $0x4000, $0x38;
	[tilespmem:$0x10200] =	vst v63  }
0x44: {  	_ =	swait.ge [sflag:s17], $0x4000  }
0x45: {  	[sflag:s17] =	ssyncset.done $0x0  }
0x46: {  	[sflag:s17] =	ssyncadd.s32 $0xFFFFC000  }
0x47: {  	_ =	swait.ge [sflag:s18], $0x4000  }
0x48: {  	[sflag:s18] =	ssyncset.done $0x0  }
0x49: {  	[sflag:s18] =	ssyncadd.s32 $0xFFFFC000  }
0x4a: {  	[hbm4b:s19+s3] =	stream.linear.scatter [tilespmem:s12], [sflag:$0x5], $0x4000, $0x38;
	[tilespmem:$0x10200] =	vst v63  }
0x4b: {  	_ = 	snop  }
0x4c: {  	[hbm4b:s21+s3] =	stream.linear.scatter [tilespmem:s14], [sflag:$0x5], $0x4000, $0x38;
	[tilespmem:$0x10200] =	vst v63  }
0x4d: {  	_ =	swait.ge [sflag:s20], $0x4000  }
0x4e: {  	[sflag:s20] =	ssyncset.done $0x0  }
0x4f: {  	[sflag:s20] =	ssyncadd.s32 $0xFFFFC000  }
0x50: {  	_ =	swait.ge [sflag:s20], $0x4000  }
0x51: {  	[sflag:s20] =	ssyncset.done $0x0  }
0x52: {  	[sflag:s20] =	ssyncadd.s32 $0xFFFFC000  }
.Ltmp1:
0x53: {  	_ =	swait.ge [sflag:s20], $0x4000;
	(pc) =	sbr.rel @p0 .LBB2_1-.Ltmp1, $4  }
0x54: {  	[sflag:s20] =	ssyncset.done $0x0  }
0x55: {  	[sflag:s20] =	ssyncadd.s32 $0xFFFFC000  }
0x56: {  	_ =	swait.ge [sflag:s20], $0x4000  }
0x57: {  	[sflag:s20] =	ssyncset.done $0x0  }
.LBB2_2:
0x58: {  	[sflag:s20] =	ssyncadd.s32 $0xFFFFC000  }
0x59: {  	_ =	sfence.sel $0x180000  }
0x5a: {  	[bflag:$0x0] =	sbarrier.arrive $0xFFFF  }
0x5b: {  	p0 =	sne.s32 s0, $0x0;
	_ =	strace $0x90000047  }
0x5c: {  	s0 =	sadd.s32 @!p0 $0x100000, s2;
	[bflag:$0x2] =	sbarrier.arrive $0xFFFF  }
0x5d: {  	[sflag:s0] =	ssyncadd.tile.s32 @!p0 $0x1;
	_ =	shalt  }
.Lfunc_end2:
_tile_overlayer_lowered:
.L_overlay_start_2:
0x5e: {  	(tag) =	ssettag $0x2  }
0x5f: {  	s0 =	rddreg [dreg:$0x0];
	s2 =	stileid.u32  }
0x60: {  	s1 =	rddreg [dreg:$0x1];
	p0 =	sne.s32 s2, $0x0  }
0x61: {  	s3 =	rddreg [dreg:$0x2];
	[bflag:$0x3] =	sbarrier.arrive $0xFFFF;
	s2 =	simm.s32 @!p0 $0x1C06  }
0x62: {  	[timem:s3], [sflag:s2] =	dma.local @!p0 [hbm:s0], s1  }
0x63: {  	s0 =	simm.s32 @!p0 $0x6  }
0x64: {  	_ =	swait.ge @!p0 [sflag:s0], s1  }
0x65: {  	s1 =	ssub.s32 @!p0 $0x0, s1;
	[sflag:s0] =	ssyncset.done @!p0 $0x0  }
0x66: {  	[sflag:s0] =	ssyncadd.s32 @!p0 s1  }
0x67: {  	[bflag:$0x3] =	sbarrier.arrive $0xFFFF  }
0x68: {  	_ =	shalt  }

</sc_bundles>
